<compile_context>
chip_gen: v7x
topology: tpu7x:2x2x1
jax: 0.10.2.dev20260603
libtpu: 0.0.44.dev20260713+nightly
codegen_flags: <defaults>
</compile_context>

<pallas_src>
import functools

import jax
import jax.numpy as jnp
from jax import lax
from jax.experimental import pallas as pl
from jax.experimental.pallas import tpu as pltpu
from jax.experimental.pallas import tpu_sc as plsc

NC = 2
NS = 16
L = 16
NPAD = 10240
RPT = NPAD // NS
KDEG = 2000
KAGG = 1000
NBUF = 4


def _newton_rsqrt(d):
  i = lax.bitcast_convert_type(d, jnp.int32)
  i = 0x5F3759DF - lax.shift_right_arithmetic(i, 1)
  y = lax.bitcast_convert_type(i, jnp.float32)
  for _ in range(4):
    y = y * (1.5 - 0.5 * d * y * y)
  return y


_SPLAT_DNUMS = lax.GatherDimensionNumbers(
    offset_dims=(), collapsed_slice_dims=(0,), start_index_map=(0,))


def _splat(vec, jj):
  idx = jnp.full((L, 1), jj, jnp.int32)
  return lax.gather(vec, idx, _SPLAT_DNUMS, (1,),
                    mode=lax.GatherScatterMode.PROMISE_IN_BOUNDS)


@functools.partial(jax.jit, static_argnames=("e_per_tile",))
def _sc_degree(edge_index, *, e_per_tile):
  mesh = plsc.VectorSubcoreMesh(core_axis_name="c", subcore_axis_name="s")
  nch = e_per_tile // KDEG

  @functools.partial(
      pl.kernel,
      mesh=mesh,
      out_type=jax.ShapeDtypeStruct((NC, NPAD), jnp.float32),
      compiler_params=pltpu.CompilerParams(use_tc_tiling_on_sc=False),
      scratch_types=[
          pltpu.VMEM((nch, KDEG), jnp.int32),
          pltpu.VMEM((KDEG,), jnp.float32),
          pltpu.VMEM_SHARED((NPAD,), jnp.float32),
          pltpu.SemaphoreType.DMA,
          pltpu.SemaphoreType.DMA,
          pltpu.SemaphoreType.DMA,
      ],
  )
  def body(ei_hbm, degp_hbm, idx_v, ones_v, acc_sh, isem, s0, s1):
    c = lax.axis_index("c")
    s = lax.axis_index("s")
    sl = pl.ds(s * RPT, RPT)
    base = (c * NS + s) * e_per_tile
    idma = [pltpu.async_copy(ei_hbm.at[1, pl.ds(base + i * KDEG, KDEG)],
                             idx_v.at[i], isem) for i in range(nch)]

    def fill_zero(i, carry):
      ones_v[pl.ds(i * L, L)] = jnp.zeros((L,), jnp.float32)
      return carry

    lax.fori_loop(0, RPT // L, fill_zero, 0)
    pltpu.sync_copy(ones_v.at[pl.ds(0, RPT)], acc_sh.at[sl])

    def fill_one(i, carry):
      ones_v[pl.ds(i * L, L)] = jnp.ones((L,), jnp.float32)
      return carry

    lax.fori_loop(0, KDEG // L, fill_one, 0)
    for d in idma:
      d.wait()
    plsc.subcore_barrier()
    ssems = [s0, s1]
    sdma = []
    for i in range(nch):
      if i >= 2:
        sdma[i - 2].wait()
      sdma.append(pltpu.async_copy(ones_v, acc_sh.at[idx_v.at[i]],
                                   ssems[i % 2], add=True))
    for d in sdma[-2:]:
      d.wait()
    plsc.subcore_barrier()
    pltpu.sync_copy(acc_sh.at[sl], degp_hbm.at[c, sl])

  return body(edge_index)


@functools.partial(jax.jit, static_argnames=("e_per_tile",))
def _sc_aggregate(edge_index, h_pack, degp, *, e_per_tile):
  mesh = plsc.VectorSubcoreMesh(core_axis_name="c", subcore_axis_name="s")
  nch = e_per_tile // KAGG

  @functools.partial(
      pl.kernel,
      mesh=mesh,
      out_type=jax.ShapeDtypeStruct((NC, NPAD, L), jnp.float32),
      compiler_params=pltpu.CompilerParams(use_tc_tiling_on_sc=False),
      scratch_types=[
          pltpu.VMEM((RPT,), jnp.float32),
          pltpu.VMEM((RPT,), jnp.float32),
          pltpu.VMEM((RPT // 8, 128), jnp.float32),
          pltpu.VMEM((RPT, L), jnp.float32),
          pltpu.VMEM((nch, KAGG), jnp.int32),
          pltpu.VMEM((nch, KAGG), jnp.int32),
          [pltpu.VMEM((KAGG, L), jnp.float32) for _ in range(NBUF)],
          pltpu.VMEM_SHARED((NPAD, L), jnp.float32),
          pltpu.VMEM_SHARED((NPAD, L), jnp.float32),
          pltpu.SemaphoreType.DMA,
          [pltpu.SemaphoreType.DMA for _ in range(NBUF)],
          [pltpu.SemaphoreType.DMA for _ in range(NBUF)],
      ],
  )
  def body(ei_hbm, h_hbm, degp_hbm, aggp_hbm,
           d1_v, dinv_v, h_v, hs_v, sidx_v, didx_v, rows, acc_sh, hs_sh,
           isem, gsems, ssems):
    c = lax.axis_index("c")
    s = lax.axis_index("s")
    sl = pl.ds(s * RPT, RPT)
    base = (c * NS + s) * e_per_tile

    idma = []
    for i in range(nch):
      ch = pl.ds(base + i * KAGG, KAGG)
      idma.append(pltpu.async_copy(ei_hbm.at[0, ch], sidx_v.at[i], isem))
      idma.append(pltpu.async_copy(ei_hbm.at[1, ch], didx_v.at[i], isem))

    pltpu.sync_copy(degp_hbm.at[0, sl], dinv_v)
    pltpu.sync_copy(degp_hbm.at[1, sl], d1_v)
    pltpu.sync_copy(h_hbm.at[pl.ds(s * (RPT // 8), RPT // 8)], h_v)

    def newton(g, carry):
      gsl = pl.ds(g * L, L)
      deg = dinv_v[gsl] + d1_v[gsl] + 1.0
      dinv_v[gsl] = _newton_rsqrt(deg)
      return carry

    lax.fori_loop(0, RPT // L, newton, 0)

    def scale_hs(g, carry):
      dchunk = dinv_v[pl.ds(g * L, L)]
      for jj in range(L):
        j = g * L + jj
        row = h_v[2 * g + jj // 8, pl.ds(16 * (jj % 8), L)]
        hs_v[j, :] = row * _splat(dchunk, jj)
      return carry

    lax.fori_loop(0, RPT // L, scale_hs, 0)
    pltpu.sync_copy(hs_v, hs_sh.at[sl])

    @pl.when(c == 0)
    def _():
      pltpu.sync_copy(hs_v, acc_sh.at[sl])

    @pl.when(c != 0)
    def _():
      def fill_zero(i, carry):
        rows[0][i, :] = jnp.zeros((L,), jnp.float32)
        return carry

      lax.fori_loop(0, RPT, fill_zero, 0)
      pltpu.sync_copy(rows[0].at[pl.ds(0, RPT)], acc_sh.at[sl])

    for d in idma:
      d.wait()
    plsc.subcore_barrier()

    sdma = {}
    gdma = {}

    def issue_gather(i):
      b = i % NBUF
      if i - NBUF >= 0:
        sdma[i - NBUF].wait()
      gdma[i] = pltpu.async_copy(hs_sh.at[sidx_v.at[i]], rows[b], gsems[b])

    issue_gather(0)
    if nch > 1:
      issue_gather(1)
    for i in range(nch):
      b = i % NBUF
      gdma[i].wait()
      sdma[i] = pltpu.async_copy(rows[b], acc_sh.at[didx_v.at[i]],
                                 ssems[b], add=True)
      if i + 2 < nch:
        issue_gather(i + 2)
    for i in range(max(0, nch - NBUF), nch):
      sdma[i].wait()
    plsc.subcore_barrier()

    pltpu.sync_copy(acc_sh.at[sl], hs_v)

    def scale_out(g, carry):
      dchunk = dinv_v[pl.ds(g * L, L)]
      for jj in range(L):
        j = g * L + jj
        hs_v[j, :] = hs_v[j, :] * _splat(dchunk, jj)
      return carry

    lax.fori_loop(0, RPT // L, scale_out, 0)
    pltpu.sync_copy(hs_v, aggp_hbm.at[c, sl])

  return body(edge_index, h_pack, degp)


def _tc_matmul_packed(x3, w1):
  n8 = x3.shape[0]

  def body(x_ref, w_ref, out_ref):
    xa = x_ref[...]
    w = w_ref[...]
    for j in range(8):
      xj = xa[:, j, :]
      hj = jnp.dot(xj, w, preferred_element_type=jnp.float32)
      out_ref[pl.ds(0, n8), pl.ds(L * j, L)] = hj

  return pl.pallas_call(
      body,
      out_shape=jax.ShapeDtypeStruct((NPAD // 8, 128), jnp.float32),
  )(x3, w1)


def _tc_final_packed(aggp2, b1, wl, bl, n8):
  half = NPAD * L // 128
  h_dim = wl.shape[0]
  c_dim = wl.shape[1]

  def body(a_ref, b1_ref, wl_ref, bl_ref, out_ref):
    b1t = jnp.concatenate([b1_ref[...]] * 8, axis=1)
    blt = jnp.concatenate([bl_ref[...]] * 8, axis=1)
    w = wl_ref[...]
    z = jnp.zeros((h_dim, c_dim), jnp.float32)
    wl_big = jnp.concatenate(
        [jnp.concatenate([w if k == j else z for k in range(8)], axis=0)
         for j in range(8)], axis=1)
    v = a_ref[pl.ds(0, half), :] + a_ref[pl.ds(half, half), :] + b1t
    act = jnp.maximum(v, 0.0)
    lg = jnp.dot(act, wl_big, preferred_element_type=jnp.float32)
    sg = 1.0 / (1.0 + jnp.exp(-(lg + blt)))
    out_ref[...] = sg[:out_ref.shape[0]]

  return pl.pallas_call(
      body,
      out_shape=jax.ShapeDtypeStruct((n8, L), jnp.float32),
  )(aggp2, b1, wl, bl)


def kernel(x_muons, edge_index_muons, W1, b1, Wl, bl, generate_jets=0):
  n, d = x_muons.shape
  h_dim = W1.shape[1]
  c_dim = Wl.shape[1]
  e = edge_index_muons.shape[1]
  e_per_tile = e // (NC * NS)

  x3 = x_muons.reshape(n // 8, 8, d)

  h_pack = _tc_matmul_packed(x3, W1)
  degp = _sc_degree(edge_index_muons, e_per_tile=e_per_tile)
  aggp = _sc_aggregate(edge_index_muons, h_pack, degp,
                       e_per_tile=e_per_tile)

  out_pack = _tc_final_packed(aggp.reshape(NC * NPAD * h_dim // 128, 128),
                              b1.reshape(1, h_dim), Wl,
                              bl.reshape(1, c_dim), n // 8)
  return out_pack.reshape(n, c_dim)

# --- scband reference (transcript-rebuilt; emitter-appended) ---
"""Pipeline reference for scband-gcn-47510928228518 (READ-ONLY COPY).

The authoritative reference and input builder live on the scoring server;
editing this copy changes nothing except your own understanding.
"""

import jax, jax.numpy as jnp
import numpy as np

N = 10000
E = 320000
D = 128
H = 16
C = 2


def setup_inputs(seed: int = 0) -> dict:
    key = jax.random.key(seed)
    ks = jax.random.split(key, 6)
    x_muons = jax.random.normal(ks[0], (N, D), dtype=jnp.float32)
    edge_index_muons = jax.random.randint(ks[1], (2, E), 0, N, dtype=jnp.int32)
    # GCNConv internal linear (bias=False) + separate bias param
    W1 = jax.random.normal(ks[2], (D, H), dtype=jnp.float32) / np.sqrt(D)
    b1 = jnp.zeros((H,), dtype=jnp.float32)
    # final Linear(hidden_channels, num_classes)
    Wl = jax.random.normal(ks[3], (H, C), dtype=jnp.float32) / np.sqrt(H)
    bl = jnp.zeros((C,), dtype=jnp.float32)
    return {
        'x_muons': x_muons,
        'edge_index_muons': edge_index_muons,
        'W1': W1,
        'b1': b1,
        'Wl': Wl,
        'bl': bl,
        'generate_jets': 0,
    }


def _gcn_conv(x, edge_index, W, b):
    # PyG GCNConv: h = x @ W; add self-loops; sym-normalize; scatter-add; + bias
    n = x.shape[0]
    src = edge_index[0]
    dst = edge_index[1]
    loop = jnp.arange(n, dtype=edge_index.dtype)
    src2 = jnp.concatenate([src, loop])
    dst2 = jnp.concatenate([dst, loop])
    h = x @ W
    deg = jnp.zeros((n,), dtype=x.dtype).at[dst2].add(1.0)
    dinv = jnp.where(deg > 0, jax.lax.rsqrt(jnp.where(deg > 0, deg, 1.0)), 0.0)
    norm = dinv[src2] * dinv[dst2]
    msg = h[src2] * norm[:, None]
    out = jnp.zeros((n, h.shape[1]), dtype=h.dtype).at[dst2].add(msg)
    return out + b


def reference(x_muons, edge_index_muons, W1, b1, Wl, bl, generate_jets=0):
    # HeteroConv with a single ('muons','interacts','muons') GCNConv relation.
    # NOTE: the original forward `return`s inside the layer loop, so only the
    # first conv layer ever executes; we replicate that faithfully.
    h = _gcn_conv(x_muons, edge_index_muons, W1, b1)
    h = jax.nn.relu(h)
    # generate_jets == 0 (False): out_t = x_dict['muons'] only
    out_t = h
    logits = out_t @ Wl + bl
    return jax.nn.sigmoid(logits)

if __name__ == "__main__":
    import jax
    _d = setup_inputs()
    print(jax.jit(kernel)(*tuple(_d.values())))

</pallas_src>

<mosaic_0001>
#map = affine_map<(d0, d1) -> (0, 0)>
module attributes {stable_mosaic.version = 14 : i64} {
  func.func @body(%arg0: i32, %arg1: i32, %arg2: memref<2x320000xi32, #tpu.memory_space<hbm>>, %arg3: memref<2x10240xf32, #tpu.memory_space<hbm>>, %arg4: memref<5x2000xi32, #tpu.memory_space<vmem>>, %arg5: memref<2000xf32, #tpu.memory_space<vmem>>, %arg6: memref<10240xf32, #tpu.memory_space<vmem_shared>>, %arg7: memref<!tpu.dma_semaphore, #tpu.memory_space<semaphore_mem>>, %arg8: memref<!tpu.dma_semaphore, #tpu.memory_space<semaphore_mem>>, %arg9: memref<!tpu.dma_semaphore, #tpu.memory_space<semaphore_mem>>) attributes {dimension_semantics = [#tpu.dimension_semantics<core_parallel>, #tpu.dimension_semantics<subcore_parallel>], iteration_bounds = array<i64: 2, 16>, scalar_prefetch = 0 : i64, scratch_operands = 6 : i64, tpu.core_type = #tpu.core_type<sc_vector_subcore>, window_params = [{transform_indices = #map}, {transform_indices = #map}]} {
    %mul3A = arith.constant 640 : i32
    %mul3A_0 = arith.muli %arg1, %mul3A : i32
    %mul3A_1 = arith.constant 16 : i32
    %mul3A_2 = arith.muli %arg0, %mul3A_1 : i32
    %add3A = arith.addi %mul3A_2, %arg1 : i32
    %mul3A_3 = arith.constant 10000 : i32
    %mul3A_4 = arith.muli %add3A, %mul3A_3 : i32
    %add3A_5 = arith.constant 0 : i32
    %add3A_6 = arith.addi %mul3A_4, %add3A_5 : i32
    %dma_start3A = arith.constant 1 : i32
    %dma_start3A_7 = arith.constant 0 : i32
    %dma_start3A_8 = arith.constant 0 : i32
    %dma_start3A_9 = tpu.memref_slice %arg4[%dma_start3A_7, %dma_start3A_8] : memref<5x2000xi32, #tpu.memory_space<vmem>> -> memref<1x2000xi32, #tpu.memory_space<vmem>>
    %dma_start3A_10 = tpu.memref_squeeze %dma_start3A_9 : memref<1x2000xi32, #tpu.memory_space<vmem>> -> memref<2000xi32, #tpu.memory_space<vmem>>
    %dma_start3A_11 = tpu.memref_slice %arg2[%dma_start3A, %add3A_6] : memref<2x320000xi32, #tpu.memory_space<hbm>> -> memref<1x2000xi32, #tpu.memory_space<hbm>>
    %dma_start3A_12 = tpu.memref_squeeze %dma_start3A_11 : memref<1x2000xi32, #tpu.memory_space<hbm>> -> memref<2000xi32, #tpu.memory_space<hbm>>
    %dma_start3A_13 = arith.constant 0 : i32
    %dma_start3A_14 = tpu.memref_slice %arg4[%dma_start3A_7, %dma_start3A_13] : memref<5x2000xi32, #tpu.memory_space<vmem>> -> memref<1x2000xi32, #tpu.memory_space<vmem>>
    %dma_start3A_15 = tpu.memref_squeeze %dma_start3A_14 : memref<1x2000xi32, #tpu.memory_space<vmem>> -> memref<2000xi32, #tpu.memory_space<vmem>>
    %dma_start3A_16 = tpu.memref_slice %arg2[%dma_start3A, %add3A_6] : memref<2x320000xi32, #tpu.memory_space<hbm>> -> memref<1x2000xi32, #tpu.memory_space<hbm>>
    %dma_start3A_17 = tpu.memref_squeeze %dma_start3A_16 : memref<1x2000xi32, #tpu.memory_space<hbm>> -> memref<2000xi32, #tpu.memory_space<hbm>>
    tpu.enqueue_dma source(%dma_start3A_17 : memref<2000xi32, #tpu.memory_space<hbm>>) target(%dma_start3A_15 : memref<2000xi32, #tpu.memory_space<vmem>>) target_semaphore(%arg7 : memref<!tpu.dma_semaphore, #tpu.memory_space<semaphore_mem>>)
    %add3A_18 = arith.constant 2000 : i32
    %add3A_19 = arith.addi %mul3A_4, %add3A_18 : i32
    %dma_start3A_20 = arith.constant 1 : i32
    %dma_start3A_21 = arith.constant 1 : i32
    %dma_start3A_22 = arith.constant 0 : i32
    %dma_start3A_23 = tpu.memref_slice %arg4[%dma_start3A_21, %dma_start3A_22] : memref<5x2000xi32, #tpu.memory_space<vmem>> -> memref<1x2000xi32, #tpu.memory_space<vmem>>
    %dma_start3A_24 = tpu.memref_squeeze %dma_start3A_23 : memref<1x2000xi32, #tpu.memory_space<vmem>> -> memref<2000xi32, #tpu.memory_space<vmem>>
    %dma_start3A_25 = tpu.memref_slice %arg2[%dma_start3A_20, %add3A_19] : memref<2x320000xi32, #tpu.memory_space<hbm>> -> memref<1x2000xi32, #tpu.memory_space<hbm>>
    %dma_start3A_26 = tpu.memref_squeeze %dma_start3A_25 : memref<1x2000xi32, #tpu.memory_space<hbm>> -> memref<2000xi32, #tpu.memory_space<hbm>>
    %dma_start3A_27 = arith.constant 0 : i32
    %dma_start3A_28 = tpu.memref_slice %arg4[%dma_start3A_21, %dma_start3A_27] : memref<5x2000xi32, #tpu.memory_space<vmem>> -> memref<1x2000xi32, #tpu.memory_space<vmem>>
    %dma_start3A_29 = tpu.memref_squeeze %dma_start3A_28 : memref<1x2000xi32, #tpu.memory_space<vmem>> -> memref<2000xi32, #tpu.memory_space<vmem>>
    %dma_start3A_30 = tpu.memref_slice %arg2[%dma_start3A_20, %add3A_19] : memref<2x320000xi32, #tpu.memory_space<hbm>> -> memref<1x2000xi32, #tpu.memory_space<hbm>>
    %dma_start3A_31 = tpu.memref_squeeze %dma_start3A_30 : memref<1x2000xi32, #tpu.memory_space<hbm>> -> memref<2000xi32, #tpu.memory_space<hbm>>
    tpu.enqueue_dma source(%dma_start3A_31 : memref<2000xi32, #tpu.memory_space<hbm>>) target(%dma_start3A_29 : memref<2000xi32, #tpu.memory_space<vmem>>) target_semaphore(%arg7 : memref<!tpu.dma_semaphore, #tpu.memory_space<semaphore_mem>>)
    %add3A_32 = arith.constant 4000 : i32
    %add3A_33 = arith.addi %mul3A_4, %add3A_32 : i32
    %dma_start3A_34 = arith.constant 1 : i32
    %dma_start3A_35 = arith.constant 2 : i32
    %dma_start3A_36 = arith.constant 0 : i32
    %dma_start3A_37 = tpu.memref_slice %arg4[%dma_start3A_35, %dma_start3A_36] : memref<5x2000xi32, #tpu.memory_space<vmem>> -> memref<1x2000xi32, #tpu.memory_space<vmem>>
    %dma_start3A_38 = tpu.memref_squeeze %dma_start3A_37 : memref<1x2000xi32, #tpu.memory_space<vmem>> -> memref<2000xi32, #tpu.memory_space<vmem>>
    %dma_start3A_39 = tpu.memref_slice %arg2[%dma_start3A_34, %add3A_33] : memref<2x320000xi32, #tpu.memory_space<hbm>> -> memref<1x2000xi32, #tpu.memory_space<hbm>>
    %dma_start3A_40 = tpu.memref_squeeze %dma_start3A_39 : memref<1x2000xi32, #tpu.memory_space<hbm>> -> memref<2000xi32, #tpu.memory_space<hbm>>
    %dma_start3A_41 = arith.constant 0 : i32
    %dma_start3A_42 = tpu.memref_slice %arg4[%dma_start3A_35, %dma_start3A_41] : memref<5x2000xi32, #tpu.memory_space<vmem>> -> memref<1x2000xi32, #tpu.memory_space<vmem>>
    %dma_start3A_43 = tpu.memref_squeeze %dma_start3A_42 : memref<1x2000xi32, #tpu.memory_space<vmem>> -> memref<2000xi32, #tpu.memory_space<vmem>>
    %dma_start3A_44 = tpu.memref_slice %arg2[%dma_start3A_34, %add3A_33] : memref<2x320000xi32, #tpu.memory_space<hbm>> -> memref<1x2000xi32, #tpu.memory_space<hbm>>
    %dma_start3A_45 = tpu.memref_squeeze %dma_start3A_44 : memref<1x2000xi32, #tpu.memory_space<hbm>> -> memref<2000xi32, #tpu.memory_space<hbm>>
    tpu.enqueue_dma source(%dma_start3A_45 : memref<2000xi32, #tpu.memory_space<hbm>>) target(%dma_start3A_43 : memref<2000xi32, #tpu.memory_space<vmem>>) target_semaphore(%arg7 : memref<!tpu.dma_semaphore, #tpu.memory_space<semaphore_mem>>)
    %add3A_46 = arith.constant 6000 : i32
    %add3A_47 = arith.addi %mul3A_4, %add3A_46 : i32
    %dma_start3A_48 = arith.constant 1 : i32
    %dma_start3A_49 = arith.constant 3 : i32
    %dma_start3A_50 = arith.constant 0 : i32
    %dma_start3A_51 = tpu.memref_slice %arg4[%dma_start3A_49, %dma_start3A_50] : memref<5x2000xi32, #tpu.memory_space<vmem>> -> memref<1x2000xi32, #tpu.memory_space<vmem>>
    %dma_start3A_52 = tpu.memref_squeeze %dma_start3A_51 : memref<1x2000xi32, #tpu.memory_space<vmem>> -> memref<2000xi32, #tpu.memory_space<vmem>>
    %dma_start3A_53 = tpu.memref_slice %arg2[%dma_start3A_48, %add3A_47] : memref<2x320000xi32, #tpu.memory_space<hbm>> -> memref<1x2000xi32, #tpu.memory_space<hbm>>
    %dma_start3A_54 = tpu.memref_squeeze %dma_start3A_53 : memref<1x2000xi32, #tpu.memory_space<hbm>> -> memref<2000xi32, #tpu.memory_space<hbm>>
    %dma_start3A_55 = arith.constant 0 : i32
    %dma_start3A_56 = tpu.memref_slice %arg4[%dma_start3A_49, %dma_start3A_55] : memref<5x2000xi32, #tpu.memory_space<vmem>> -> memref<1x2000xi32, #tpu.memory_space<vmem>>
    %dma_start3A_57 = tpu.memref_squeeze %dma_start3A_56 : memref<1x2000xi32, #tpu.memory_space<vmem>> -> memref<2000xi32, #tpu.memory_space<vmem>>
    %dma_start3A_58 = tpu.memref_slice %arg2[%dma_start3A_48, %add3A_47] : memref<2x320000xi32, #tpu.memory_space<hbm>> -> memref<1x2000xi32, #tpu.memory_space<hbm>>
    %dma_start3A_59 = tpu.memref_squeeze %dma_start3A_58 : memref<1x2000xi32, #tpu.memory_space<hbm>> -> memref<2000xi32, #tpu.memory_space<hbm>>
    tpu.enqueue_dma source(%dma_start3A_59 : memref<2000xi32, #tpu.memory_space<hbm>>) target(%dma_start3A_57 : memref<2000xi32, #tpu.memory_space<vmem>>) target_semaphore(%arg7 : memref<!tpu.dma_semaphore, #tpu.memory_space<semaphore_mem>>)
    %add3A_60 = arith.constant 8000 : i32
    %add3A_61 = arith.addi %mul3A_4, %add3A_60 : i32
    %dma_start3A_62 = arith.constant 1 : i32
    %dma_start3A_63 = arith.constant 4 : i32
    %dma_start3A_64 = arith.constant 0 : i32
    %dma_start3A_65 = tpu.memref_slice %arg4[%dma_start3A_63, %dma_start3A_64] : memref<5x2000xi32, #tpu.memory_space<vmem>> -> memref<1x2000xi32, #tpu.memory_space<vmem>>
    %dma_start3A_66 = tpu.memref_squeeze %dma_start3A_65 : memref<1x2000xi32, #tpu.memory_space<vmem>> -> memref<2000xi32, #tpu.memory_space<vmem>>
    %dma_start3A_67 = tpu.memref_slice %arg2[%dma_start3A_62, %add3A_61] : memref<2x320000xi32, #tpu.memory_space<hbm>> -> memref<1x2000xi32, #tpu.memory_space<hbm>>
    %dma_start3A_68 = tpu.memref_squeeze %dma_start3A_67 : memref<1x2000xi32, #tpu.memory_space<hbm>> -> memref<2000xi32, #tpu.memory_space<hbm>>
    %dma_start3A_69 = arith.constant 0 : i32
    %dma_start3A_70 = tpu.memref_slice %arg4[%dma_start3A_63, %dma_start3A_69] : memref<5x2000xi32, #tpu.memory_space<vmem>> -> memref<1x2000xi32, #tpu.memory_space<vmem>>
    %dma_start3A_71 = tpu.memref_squeeze %dma_start3A_70 : memref<1x2000xi32, #tpu.memory_space<vmem>> -> memref<2000xi32, #tpu.memory_space<vmem>>
    %dma_start3A_72 = tpu.memref_slice %arg2[%dma_start3A_62, %add3A_61] : memref<2x320000xi32, #tpu.memory_space<hbm>> -> memref<1x2000xi32, #tpu.memory_space<hbm>>
    %dma_start3A_73 = tpu.memref_squeeze %dma_start3A_72 : memref<1x2000xi32, #tpu.memory_space<hbm>> -> memref<2000xi32, #tpu.memory_space<hbm>>
    tpu.enqueue_dma source(%dma_start3A_73 : memref<2000xi32, #tpu.memory_space<hbm>>) target(%dma_start3A_71 : memref<2000xi32, #tpu.memory_space<vmem>>) target_semaphore(%arg7 : memref<!tpu.dma_semaphore, #tpu.memory_space<semaphore_mem>>)
    %scan3A = arith.constant 0 : i32
    %scan3A_74 = arith.constant 0 : i32
    %scan3A_75 = arith.constant 40 : i32
    %scan3A_76 = arith.addi %scan3A_74, %scan3A_75 : i32
    %scan3A_77 = arith.constant 1 : i32
    scf.for %scan3A_205 = %scan3A_74 to %scan3A_76 step %scan3A_77  : i32 {
      %broadcast_in_dim3A = arith.constant 0.000000e+00 : f32
      %broadcast_in_dim3A_206 = vector.broadcast %broadcast_in_dim3A : f32 to vector<16xf32>
      %mul3A_207 = arith.constant 16 : i32
      %mul3A_208 = arith.muli %scan3A_205, %mul3A_207 : i32
      %swap3A = arith.index_cast %mul3A_208 : i32 to index
      %swap3A_209 = tpu.vector_load %arg5[%swap3A] {strides = array<i32>} : memref<2000xf32, #tpu.memory_space<vmem>>, vector<16xf32>,
      %swap3A_210 = vector.shape_cast %swap3A_209 : vector<16xf32> to vector<16xf32>
      %swap3A_211 = vector.shape_cast %broadcast_in_dim3A_206 : vector<16xf32> to vector<16xf32>
      tpu.vector_store %arg5[%swap3A], %swap3A_211 {strides = array<i32>} : memref<2000xf32, #tpu.memory_space<vmem>>, vector<16xf32>,
    }
    %scan3A_78 = arith.constant 40 : i32
    "tpu.region"() ({
      %run_scoped3A = tpu.sem_alloc : memref<!tpu.dma_semaphore, #tpu.memory_space<semaphore_mem>>
      %dma_start3A_205 = arith.constant 0 : i32
      %dma_start3A_206 = tpu.memref_slice %arg5[%dma_start3A_205] : memref<2000xf32, #tpu.memory_space<vmem>> -> memref<640xf32, #tpu.memory_space<vmem>>
      %dma_start3A_207 = tpu.memref_slice %arg6[%mul3A_0] : memref<10240xf32, #tpu.memory_space<vmem_shared>> -> memref<640xf32, #tpu.memory_space<vmem_shared>>
      %dma_start3A_208 = tpu.memref_slice %arg6[%mul3A_0] : memref<10240xf32, #tpu.memory_space<vmem_shared>> -> memref<640xf32, #tpu.memory_space<vmem_shared>>
      %dma_start3A_209 = arith.constant 0 : i32
      %dma_start3A_210 = tpu.memref_slice %arg5[%dma_start3A_209] : memref<2000xf32, #tpu.memory_space<vmem>> -> memref<640xf32, #tpu.memory_space<vmem>>
      tpu.enqueue_dma source(%dma_start3A_210 : memref<640xf32, #tpu.memory_space<vmem>>) target(%dma_start3A_208 : memref<640xf32, #tpu.memory_space<vmem_shared>>) target_semaphore(%run_scoped3A : memref<!tpu.dma_semaphore, #tpu.memory_space<semaphore_mem>>)
      %dma_wait3A_211 = arith.constant 0 : i32
      %dma_wait3A_212 = tpu.memref_slice %arg5[%dma_wait3A_211] : memref<2000xf32, #tpu.memory_space<vmem>> -> memref<640xf32, #tpu.memory_space<vmem>>
      %dma_wait3A_213 = tpu.memref_slice %arg6[%mul3A_0] : memref<10240xf32, #tpu.memory_space<vmem_shared>> -> memref<640xf32, #tpu.memory_space<vmem_shared>>
      %dma_wait3A_214 = tpu.memref_slice %arg6[%mul3A_0] : memref<10240xf32, #tpu.memory_space<vmem_shared>> -> memref<640xf32, #tpu.memory_space<vmem_shared>>
      %dma_wait3A_215 = arith.constant 0 : i32
      %dma_wait3A_216 = tpu.memref_slice %arg5[%dma_wait3A_215] : memref<2000xf32, #tpu.memory_space<vmem>> -> memref<640xf32, #tpu.memory_space<vmem>>
      tpu.wait_dma2 semaphore(%run_scoped3A : memref<!tpu.dma_semaphore, #tpu.memory_space<semaphore_mem>>) src(%dma_wait3A_216 : memref<640xf32, #tpu.memory_space<vmem>>) dst(%dma_wait3A_214 : memref<640xf32, #tpu.memory_space<vmem_shared>>)
      tpu.yield
    }) : () -> ()
    %scan3A_79 = arith.constant 0 : i32
    %scan3A_80 = arith.constant 0 : i32
    %scan3A_81 = arith.constant 125 : i32
    %scan3A_82 = arith.addi %scan3A_80, %scan3A_81 : i32
    %scan3A_83 = arith.constant 1 : i32
    scf.for %scan3A_205 = %scan3A_80 to %scan3A_82 step %scan3A_83  : i32 {
      %broadcast_in_dim3A = arith.constant 1.000000e+00 : f32
      %broadcast_in_dim3A_206 = vector.broadcast %broadcast_in_dim3A : f32 to vector<16xf32>
      %mul3A_207 = arith.constant 16 : i32
      %mul3A_208 = arith.muli %scan3A_205, %mul3A_207 : i32
      %swap3A = arith.index_cast %mul3A_208 : i32 to index
      %swap3A_209 = tpu.vector_load %arg5[%swap3A] {strides = array<i32>} : memref<2000xf32, #tpu.memory_space<vmem>>, vector<16xf32>,
      %swap3A_210 = vector.shape_cast %swap3A_209 : vector<16xf32> to vector<16xf32>
      %swap3A_211 = vector.shape_cast %broadcast_in_dim3A_206 : vector<16xf32> to vector<16xf32>
      tpu.vector_store %arg5[%swap3A], %swap3A_211 {strides = array<i32>} : memref<2000xf32, #tpu.memory_space<vmem>>, vector<16xf32>,
    }
    %scan3A_84 = arith.constant 125 : i32
    %dma_wait3A = arith.constant 1 : i32
    %dma_wait3A_85 = arith.constant 0 : i32
    %dma_wait3A_86 = arith.constant 0 : i32
    %dma_wait3A_87 = tpu.memref_slice %arg4[%dma_wait3A_85, %dma_wait3A_86] : memref<5x2000xi32, #tpu.memory_space<vmem>> -> memref<1x2000xi32, #tpu.memory_space<vmem>>
    %dma_wait3A_88 = tpu.memref_squeeze %dma_wait3A_87 : memref<1x2000xi32, #tpu.memory_space<vmem>> -> memref<2000xi32, #tpu.memory_space<vmem>>
    %dma_wait3A_89 = tpu.memref_slice %arg2[%dma_wait3A, %add3A_6] : memref<2x320000xi32, #tpu.memory_space<hbm>> -> memref<1x2000xi32, #tpu.memory_space<hbm>>
    %dma_wait3A_90 = tpu.memref_squeeze %dma_wait3A_89 : memref<1x2000xi32, #tpu.memory_space<hbm>> -> memref<2000xi32, #tpu.memory_space<hbm>>
    %dma_wait3A_91 = arith.constant 0 : i32
    %dma_wait3A_92 = tpu.memref_slice %arg4[%dma_wait3A_85, %dma_wait3A_91] : memref<5x2000xi32, #tpu.memory_space<vmem>> -> memref<1x2000xi32, #tpu.memory_space<vmem>>
    %dma_wait3A_93 = tpu.memref_squeeze %dma_wait3A_92 : memref<1x2000xi32, #tpu.memory_space<vmem>> -> memref<2000xi32, #tpu.memory_space<vmem>>
    %dma_wait3A_94 = tpu.memref_slice %arg2[%dma_wait3A, %add3A_6] : memref<2x320000xi32, #tpu.memory_space<hbm>> -> memref<1x2000xi32, #tpu.memory_space<hbm>>
    %dma_wait3A_95 = tpu.memref_squeeze %dma_wait3A_94 : memref<1x2000xi32, #tpu.memory_space<hbm>> -> memref<2000xi32, #tpu.memory_space<hbm>>
    tpu.wait_dma2 semaphore(%arg7 : memref<!tpu.dma_semaphore, #tpu.memory_space<semaphore_mem>>) src(%dma_wait3A_95 : memref<2000xi32, #tpu.memory_space<hbm>>) dst(%dma_wait3A_93 : memref<2000xi32, #tpu.memory_space<vmem>>)
    %dma_wait3A_96 = arith.constant 1 : i32
    %dma_wait3A_97 = arith.constant 1 : i32
    %dma_wait3A_98 = arith.constant 0 : i32
    %dma_wait3A_99 = tpu.memref_slice %arg4[%dma_wait3A_97, %dma_wait3A_98] : memref<5x2000xi32, #tpu.memory_space<vmem>> -> memref<1x2000xi32, #tpu.memory_space<vmem>>
    %dma_wait3A_100 = tpu.memref_squeeze %dma_wait3A_99 : memref<1x2000xi32, #tpu.memory_space<vmem>> -> memref<2000xi32, #tpu.memory_space<vmem>>
    %dma_wait3A_101 = tpu.memref_slice %arg2[%dma_wait3A_96, %add3A_19] : memref<2x320000xi32, #tpu.memory_space<hbm>> -> memref<1x2000xi32, #tpu.memory_space<hbm>>
    %dma_wait3A_102 = tpu.memref_squeeze %dma_wait3A_101 : memref<1x2000xi32, #tpu.memory_space<hbm>> -> memref<2000xi32, #tpu.memory_space<hbm>>
    %dma_wait3A_103 = arith.constant 0 : i32
    %dma_wait3A_104 = tpu.memref_slice %arg4[%dma_wait3A_97, %dma_wait3A_103] : memref<5x2000xi32, #tpu.memory_space<vmem>> -> memref<1x2000xi32, #tpu.memory_space<vmem>>
    %dma_wait3A_105 = tpu.memref_squeeze %dma_wait3A_104 : memref<1x2000xi32, #tpu.memory_space<vmem>> -> memref<2000xi32, #tpu.memory_space<vmem>>
    %dma_wait3A_106 = tpu.memref_slice %arg2[%dma_wait3A_96, %add3A_19] : memref<2x320000xi32, #tpu.memory_space<hbm>> -> memref<1x2000xi32, #tpu.memory_space<hbm>>
    %dma_wait3A_107 = tpu.memref_squeeze %dma_wait3A_106 : memref<1x2000xi32, #tpu.memory_space<hbm>> -> memref<2000xi32, #tpu.memory_space<hbm>>
    tpu.wait_dma2 semaphore(%arg7 : memref<!tpu.dma_semaphore, #tpu.memory_space<semaphore_mem>>) src(%dma_wait3A_107 : memref<2000xi32, #tpu.memory_space<hbm>>) dst(%dma_wait3A_105 : memref<2000xi32, #tpu.memory_space<vmem>>)
    %dma_wait3A_108 = arith.constant 1 : i32
    %dma_wait3A_109 = arith.constant 2 : i32
    %dma_wait3A_110 = arith.constant 0 : i32
    %dma_wait3A_111 = tpu.memref_slice %arg4[%dma_wait3A_109, %dma_wait3A_110] : memref<5x2000xi32, #tpu.memory_space<vmem>> -> memref<1x2000xi32, #tpu.memory_space<vmem>>
    %dma_wait3A_112 = tpu.memref_squeeze %dma_wait3A_111 : memref<1x2000xi32, #tpu.memory_space<vmem>> -> memref<2000xi32, #tpu.memory_space<vmem>>
    %dma_wait3A_113 = tpu.memref_slice %arg2[%dma_wait3A_108, %add3A_33] : memref<2x320000xi32, #tpu.memory_space<hbm>> -> memref<1x2000xi32, #tpu.memory_space<hbm>>
    %dma_wait3A_114 = tpu.memref_squeeze %dma_wait3A_113 : memref<1x2000xi32, #tpu.memory_space<hbm>> -> memref<2000xi32, #tpu.memory_space<hbm>>
    %dma_wait3A_115 = arith.constant 0 : i32
    %dma_wait3A_116 = tpu.memref_slice %arg4[%dma_wait3A_109, %dma_wait3A_115] : memref<5x2000xi32, #tpu.memory_space<vmem>> -> memref<1x2000xi32, #tpu.memory_space<vmem>>
    %dma_wait3A_117 = tpu.memref_squeeze %dma_wait3A_116 : memref<1x2000xi32, #tpu.memory_space<vmem>> -> memref<2000xi32, #tpu.memory_space<vmem>>
    %dma_wait3A_118 = tpu.memref_slice %arg2[%dma_wait3A_108, %add3A_33] : memref<2x320000xi32, #tpu.memory_space<hbm>> -> memref<1x2000xi32, #tpu.memory_space<hbm>>
    %dma_wait3A_119 = tpu.memref_squeeze %dma_wait3A_118 : memref<1x2000xi32, #tpu.memory_space<hbm>> -> memref<2000xi32, #tpu.memory_space<hbm>>
    tpu.wait_dma2 semaphore(%arg7 : memref<!tpu.dma_semaphore, #tpu.memory_space<semaphore_mem>>) src(%dma_wait3A_119 : memref<2000xi32, #tpu.memory_space<hbm>>) dst(%dma_wait3A_117 : memref<2000xi32, #tpu.memory_space<vmem>>)
    %dma_wait3A_120 = arith.constant 1 : i32
    %dma_wait3A_121 = arith.constant 3 : i32
    %dma_wait3A_122 = arith.constant 0 : i32
    %dma_wait3A_123 = tpu.memref_slice %arg4[%dma_wait3A_121, %dma_wait3A_122] : memref<5x2000xi32, #tpu.memory_space<vmem>> -> memref<1x2000xi32, #tpu.memory_space<vmem>>
    %dma_wait3A_124 = tpu.memref_squeeze %dma_wait3A_123 : memref<1x2000xi32, #tpu.memory_space<vmem>> -> memref<2000xi32, #tpu.memory_space<vmem>>
    %dma_wait3A_125 = tpu.memref_slice %arg2[%dma_wait3A_120, %add3A_47] : memref<2x320000xi32, #tpu.memory_space<hbm>> -> memref<1x2000xi32, #tpu.memory_space<hbm>>
    %dma_wait3A_126 = tpu.memref_squeeze %dma_wait3A_125 : memref<1x2000xi32, #tpu.memory_space<hbm>> -> memref<2000xi32, #tpu.memory_space<hbm>>
    %dma_wait3A_127 = arith.constant 0 : i32
    %dma_wait3A_128 = tpu.memref_slice %arg4[%dma_wait3A_121, %dma_wait3A_127] : memref<5x2000xi32, #tpu.memory_space<vmem>> -> memref<1x2000xi32, #tpu.memory_space<vmem>>
    %dma_wait3A_129 = tpu.memref_squeeze %dma_wait3A_128 : memref<1x2000xi32, #tpu.memory_space<vmem>> -> memref<2000xi32, #tpu.memory_space<vmem>>
    %dma_wait3A_130 = tpu.memref_slice %arg2[%dma_wait3A_120, %add3A_47] : memref<2x320000xi32, #tpu.memory_space<hbm>> -> memref<1x2000xi32, #tpu.memory_space<hbm>>
    %dma_wait3A_131 = tpu.memref_squeeze %dma_wait3A_130 : memref<1x2000xi32, #tpu.memory_space<hbm>> -> memref<2000xi32, #tpu.memory_space<hbm>>
    tpu.wait_dma2 semaphore(%arg7 : memref<!tpu.dma_semaphore, #tpu.memory_space<semaphore_mem>>) src(%dma_wait3A_131 : memref<2000xi32, #tpu.memory_space<hbm>>) dst(%dma_wait3A_129 : memref<2000xi32, #tpu.memory_space<vmem>>)
    %dma_wait3A_132 = arith.constant 1 : i32
    %dma_wait3A_133 = arith.constant 4 : i32
    %dma_wait3A_134 = arith.constant 0 : i32
    %dma_wait3A_135 = tpu.memref_slice %arg4[%dma_wait3A_133, %dma_wait3A_134] : memref<5x2000xi32, #tpu.memory_space<vmem>> -> memref<1x2000xi32, #tpu.memory_space<vmem>>
    %dma_wait3A_136 = tpu.memref_squeeze %dma_wait3A_135 : memref<1x2000xi32, #tpu.memory_space<vmem>> -> memref<2000xi32, #tpu.memory_space<vmem>>
    %dma_wait3A_137 = tpu.memref_slice %arg2[%dma_wait3A_132, %add3A_61] : memref<2x320000xi32, #tpu.memory_space<hbm>> -> memref<1x2000xi32, #tpu.memory_space<hbm>>
    %dma_wait3A_138 = tpu.memref_squeeze %dma_wait3A_137 : memref<1x2000xi32, #tpu.memory_space<hbm>> -> memref<2000xi32, #tpu.memory_space<hbm>>
    %dma_wait3A_139 = arith.constant 0 : i32
    %dma_wait3A_140 = tpu.memref_slice %arg4[%dma_wait3A_133, %dma_wait3A_139] : memref<5x2000xi32, #tpu.memory_space<vmem>> -> memref<1x2000xi32, #tpu.memory_space<vmem>>
    %dma_wait3A_141 = tpu.memref_squeeze %dma_wait3A_140 : memref<1x2000xi32, #tpu.memory_space<vmem>> -> memref<2000xi32, #tpu.memory_space<vmem>>
    %dma_wait3A_142 = tpu.memref_slice %arg2[%dma_wait3A_132, %add3A_61] : memref<2x320000xi32, #tpu.memory_space<hbm>> -> memref<1x2000xi32, #tpu.memory_space<hbm>>
    %dma_wait3A_143 = tpu.memref_squeeze %dma_wait3A_142 : memref<1x2000xi32, #tpu.memory_space<hbm>> -> memref<2000xi32, #tpu.memory_space<hbm>>
    tpu.wait_dma2 semaphore(%arg7 : memref<!tpu.dma_semaphore, #tpu.memory_space<semaphore_mem>>) src(%dma_wait3A_143 : memref<2000xi32, #tpu.memory_space<hbm>>) dst(%dma_wait3A_141 : memref<2000xi32, #tpu.memory_space<vmem>>)
    %barrier3A = arith.constant 0 : index
    tpu.barrier barrier_id(%barrier3A)
    %dma_start3A_144 = arith.constant 0 : i32
    %dma_start3A_145 = arith.constant 0 : i32
    %dma_start3A_146 = tpu.memref_slice %arg4[%dma_start3A_144, %dma_start3A_145] : memref<5x2000xi32, #tpu.memory_space<vmem>> -> memref<1x2000xi32, #tpu.memory_space<vmem>>
    %dma_start3A_147 = tpu.memref_squeeze %dma_start3A_146 : memref<1x2000xi32, #tpu.memory_space<vmem>> -> memref<2000xi32, #tpu.memory_space<vmem>>
    %dma_start3A_148 = arith.constant 0 : i32
    %dma_start3A_149 = tpu.memref_slice %arg6[%dma_start3A_148] : memref<10240xf32, #tpu.memory_space<vmem_shared>> -> memref<10240xf32, #tpu.memory_space<vmem_shared>>
    tpu.enqueue_indirect_dma source(%arg5 : memref<2000xf32, #tpu.memory_space<vmem>>) target(%dma_start3A_149 : memref<10240xf32, #tpu.memory_space<vmem_shared>>) offsets(%dma_start3A_147 : memref<2000xi32, #tpu.memory_space<vmem>>) semaphore(%arg8 : memref<!tpu.dma_semaphore, #tpu.memory_space<semaphore_mem>>) {add = true}
    %dma_start3A_150 = arith.constant 1 : i32
    %dma_start3A_151 = arith.constant 0 : i32
    %dma_start3A_152 = tpu.memref_slice %arg4[%dma_start3A_150, %dma_start3A_151] : memref<5x2000xi32, #tpu.memory_space<vmem>> -> memref<1x2000xi32, #tpu.memory_space<vmem>>
    %dma_start3A_153 = tpu.memref_squeeze %dma_start3A_152 : memref<1x2000xi32, #tpu.memory_space<vmem>> -> memref<2000xi32, #tpu.memory_space<vmem>>
    %dma_start3A_154 = arith.constant 0 : i32
    %dma_start3A_155 = tpu.memref_slice %arg6[%dma_start3A_154] : memref<10240xf32, #tpu.memory_space<vmem_shared>> -> memref<10240xf32, #tpu.memory_space<vmem_shared>>
    tpu.enqueue_indirect_dma source(%arg5 : memref<2000xf32, #tpu.memory_space<vmem>>) target(%dma_start3A_155 : memref<10240xf32, #tpu.memory_space<vmem_shared>>) offsets(%dma_start3A_153 : memref<2000xi32, #tpu.memory_space<vmem>>) semaphore(%arg9 : memref<!tpu.dma_semaphore, #tpu.memory_space<semaphore_mem>>) {add = true}
    %dma_wait3A_156 = arith.constant 0 : i32
    %dma_wait3A_157 = arith.constant 0 : i32
    %dma_wait3A_158 = tpu.memref_slice %arg4[%dma_wait3A_156, %dma_wait3A_157] : memref<5x2000xi32, #tpu.memory_space<vmem>> -> memref<1x2000xi32, #tpu.memory_space<vmem>>
    %dma_wait3A_159 = tpu.memref_squeeze %dma_wait3A_158 : memref<1x2000xi32, #tpu.memory_space<vmem>> -> memref<2000xi32, #tpu.memory_space<vmem>>
    %dma_wait3A_160 = arith.constant 0 : i32
    %dma_wait3A_161 = tpu.memref_slice %arg6[%dma_wait3A_160] : memref<10240xf32, #tpu.memory_space<vmem_shared>> -> memref<10240xf32, #tpu.memory_space<vmem_shared>>
    tpu.wait_indirect_dma semaphore(%arg8 : memref<!tpu.dma_semaphore, #tpu.memory_space<semaphore_mem>>) src(%arg5 : memref<2000xf32, #tpu.memory_space<vmem>>) dst(%dma_wait3A_161 : memref<10240xf32, #tpu.memory_space<vmem_shared>>)
    %dma_start3A_162 = arith.constant 2 : i32
    %dma_start3A_163 = arith.constant 0 : i32
    %dma_start3A_164 = tpu.memref_slice %arg4[%dma_start3A_162, %dma_start3A_163] : memref<5x2000xi32, #tpu.memory_space<vmem>> -> memref<1x2000xi32, #tpu.memory_space<vmem>>
    %dma_start3A_165 = tpu.memref_squeeze %dma_start3A_164 : memref<1x2000xi32, #tpu.memory_space<vmem>> -> memref<2000xi32, #tpu.memory_space<vmem>>
    %dma_start3A_166 = arith.constant 0 : i32
    %dma_start3A_167 = tpu.memref_slice %arg6[%dma_start3A_166] : memref<10240xf32, #tpu.memory_space<vmem_shared>> -> memref<10240xf32, #tpu.memory_space<vmem_shared>>
    tpu.enqueue_indirect_dma source(%arg5 : memref<2000xf32, #tpu.memory_space<vmem>>) target(%dma_start3A_167 : memref<10240xf32, #tpu.memory_space<vmem_shared>>) offsets(%dma_start3A_165 : memref<2000xi32, #tpu.memory_space<vmem>>) semaphore(%arg8 : memref<!tpu.dma_semaphore, #tpu.memory_space<semaphore_mem>>) {add = true}
    %dma_wait3A_168 = arith.constant 1 : i32
    %dma_wait3A_169 = arith.constant 0 : i32
    %dma_wait3A_170 = tpu.memref_slice %arg4[%dma_wait3A_168, %dma_wait3A_169] : memref<5x2000xi32, #tpu.memory_space<vmem>> -> memref<1x2000xi32, #tpu.memory_space<vmem>>
    %dma_wait3A_171 = tpu.memref_squeeze %dma_wait3A_170 : memref<1x2000xi32, #tpu.memory_space<vmem>> -> memref<2000xi32, #tpu.memory_space<vmem>>
    %dma_wait3A_172 = arith.constant 0 : i32
    %dma_wait3A_173 = tpu.memref_slice %arg6[%dma_wait3A_172] : memref<10240xf32, #tpu.memory_space<vmem_shared>> -> memref<10240xf32, #tpu.memory_space<vmem_shared>>
    tpu.wait_indirect_dma semaphore(%arg9 : memref<!tpu.dma_semaphore, #tpu.memory_space<semaphore_mem>>) src(%arg5 : memref<2000xf32, #tpu.memory_space<vmem>>) dst(%dma_wait3A_173 : memref<10240xf32, #tpu.memory_space<vmem_shared>>)
    %dma_start3A_174 = arith.constant 3 : i32
    %dma_start3A_175 = arith.constant 0 : i32
    %dma_start3A_176 = tpu.memref_slice %arg4[%dma_start3A_174, %dma_start3A_175] : memref<5x2000xi32, #tpu.memory_space<vmem>> -> memref<1x2000xi32, #tpu.memory_space<vmem>>
    %dma_start3A_177 = tpu.memref_squeeze %dma_start3A_176 : memref<1x2000xi32, #tpu.memory_space<vmem>> -> memref<2000xi32, #tpu.memory_space<vmem>>
    %dma_start3A_178 = arith.constant 0 : i32
    %dma_start3A_179 = tpu.memref_slice %arg6[%dma_start3A_178] : memref<10240xf32, #tpu.memory_space<vmem_shared>> -> memref<10240xf32, #tpu.memory_space<vmem_shared>>
    tpu.enqueue_indirect_dma source(%arg5 : memref<2000xf32, #tpu.memory_space<vmem>>) target(%dma_start3A_179 : memref<10240xf32, #tpu.memory_space<vmem_shared>>) offsets(%dma_start3A_177 : memref<2000xi32, #tpu.memory_space<vmem>>) semaphore(%arg9 : memref<!tpu.dma_semaphore, #tpu.memory_space<semaphore_mem>>) {add = true}
    %dma_wait3A_180 = arith.constant 2 : i32
    %dma_wait3A_181 = arith.constant 0 : i32
    %dma_wait3A_182 = tpu.memref_slice %arg4[%dma_wait3A_180, %dma_wait3A_181] : memref<5x2000xi32, #tpu.memory_space<vmem>> -> memref<1x2000xi32, #tpu.memory_space<vmem>>
    %dma_wait3A_183 = tpu.memref_squeeze %dma_wait3A_182 : memref<1x2000xi32, #tpu.memory_space<vmem>> -> memref<2000xi32, #tpu.memory_space<vmem>>
    %dma_wait3A_184 = arith.constant 0 : i32
    %dma_wait3A_185 = tpu.memref_slice %arg6[%dma_wait3A_184] : memref<10240xf32, #tpu.memory_space<vmem_shared>> -> memref<10240xf32, #tpu.memory_space<vmem_shared>>
    tpu.wait_indirect_dma semaphore(%arg8 : memref<!tpu.dma_semaphore, #tpu.memory_space<semaphore_mem>>) src(%arg5 : memref<2000xf32, #tpu.memory_space<vmem>>) dst(%dma_wait3A_185 : memref<10240xf32, #tpu.memory_space<vmem_shared>>)
    %dma_start3A_186 = arith.constant 4 : i32
    %dma_start3A_187 = arith.constant 0 : i32
    %dma_start3A_188 = tpu.memref_slice %arg4[%dma_start3A_186, %dma_start3A_187] : memref<5x2000xi32, #tpu.memory_space<vmem>> -> memref<1x2000xi32, #tpu.memory_space<vmem>>
    %dma_start3A_189 = tpu.memref_squeeze %dma_start3A_188 : memref<1x2000xi32, #tpu.memory_space<vmem>> -> memref<2000xi32, #tpu.memory_space<vmem>>
    %dma_start3A_190 = arith.constant 0 : i32
    %dma_start3A_191 = tpu.memref_slice %arg6[%dma_start3A_190] : memref<10240xf32, #tpu.memory_space<vmem_shared>> -> memref<10240xf32, #tpu.memory_space<vmem_shared>>
    tpu.enqueue_indirect_dma source(%arg5 : memref<2000xf32, #tpu.memory_space<vmem>>) target(%dma_start3A_191 : memref<10240xf32, #tpu.memory_space<vmem_shared>>) offsets(%dma_start3A_189 : memref<2000xi32, #tpu.memory_space<vmem>>) semaphore(%arg8 : memref<!tpu.dma_semaphore, #tpu.memory_space<semaphore_mem>>) {add = true}
    %dma_wait3A_192 = arith.constant 3 : i32
    %dma_wait3A_193 = arith.constant 0 : i32
    %dma_wait3A_194 = tpu.memref_slice %arg4[%dma_wait3A_192, %dma_wait3A_193] : memref<5x2000xi32, #tpu.memory_space<vmem>> -> memref<1x2000xi32, #tpu.memory_space<vmem>>
    %dma_wait3A_195 = tpu.memref_squeeze %dma_wait3A_194 : memref<1x2000xi32, #tpu.memory_space<vmem>> -> memref<2000xi32, #tpu.memory_space<vmem>>
    %dma_wait3A_196 = arith.constant 0 : i32
    %dma_wait3A_197 = tpu.memref_slice %arg6[%dma_wait3A_196] : memref<10240xf32, #tpu.memory_space<vmem_shared>> -> memref<10240xf32, #tpu.memory_space<vmem_shared>>
    tpu.wait_indirect_dma semaphore(%arg9 : memref<!tpu.dma_semaphore, #tpu.memory_space<semaphore_mem>>) src(%arg5 : memref<2000xf32, #tpu.memory_space<vmem>>) dst(%dma_wait3A_197 : memref<10240xf32, #tpu.memory_space<vmem_shared>>)
    %dma_wait3A_198 = arith.constant 4 : i32
    %dma_wait3A_199 = arith.constant 0 : i32
    %dma_wait3A_200 = tpu.memref_slice %arg4[%dma_wait3A_198, %dma_wait3A_199] : memref<5x2000xi32, #tpu.memory_space<vmem>> -> memref<1x2000xi32, #tpu.memory_space<vmem>>
    %dma_wait3A_201 = tpu.memref_squeeze %dma_wait3A_200 : memref<1x2000xi32, #tpu.memory_space<vmem>> -> memref<2000xi32, #tpu.memory_space<vmem>>
    %dma_wait3A_202 = arith.constant 0 : i32
    %dma_wait3A_203 = tpu.memref_slice %arg6[%dma_wait3A_202] : memref<10240xf32, #tpu.memory_space<vmem_shared>> -> memref<10240xf32, #tpu.memory_space<vmem_shared>>
    tpu.wait_indirect_dma semaphore(%arg8 : memref<!tpu.dma_semaphore, #tpu.memory_space<semaphore_mem>>) src(%arg5 : memref<2000xf32, #tpu.memory_space<vmem>>) dst(%dma_wait3A_203 : memref<10240xf32, #tpu.memory_space<vmem_shared>>)
    %barrier3A_204 = arith.constant 0 : index
    tpu.barrier barrier_id(%barrier3A_204)
    "tpu.region"() ({
      %run_scoped3A = tpu.sem_alloc : memref<!tpu.dma_semaphore, #tpu.memory_space<semaphore_mem>>
      %dma_start3A_205 = tpu.memref_slice %arg3[%arg0, %mul3A_0] : memref<2x10240xf32, #tpu.memory_space<hbm>> -> memref<1x640xf32, #tpu.memory_space<hbm>>
      %dma_start3A_206 = tpu.memref_squeeze %dma_start3A_205 : memref<1x640xf32, #tpu.memory_space<hbm>> -> memref<640xf32, #tpu.memory_space<hbm>>
      %dma_start3A_207 = tpu.memref_slice %arg6[%mul3A_0] : memref<10240xf32, #tpu.memory_space<vmem_shared>> -> memref<640xf32, #tpu.memory_space<vmem_shared>>
      tpu.enqueue_dma source(%dma_start3A_207 : memref<640xf32, #tpu.memory_space<vmem_shared>>) target(%dma_start3A_206 : memref<640xf32, #tpu.memory_space<hbm>>) target_semaphore(%run_scoped3A : memref<!tpu.dma_semaphore, #tpu.memory_space<semaphore_mem>>)
      %dma_wait3A_208 = tpu.memref_slice %arg3[%arg0, %mul3A_0] : memref<2x10240xf32, #tpu.memory_space<hbm>> -> memref<1x640xf32, #tpu.memory_space<hbm>>
      %dma_wait3A_209 = tpu.memref_squeeze %dma_wait3A_208 : memref<1x640xf32, #tpu.memory_space<hbm>> -> memref<640xf32, #tpu.memory_space<hbm>>
      %dma_wait3A_210 = tpu.memref_slice %arg6[%mul3A_0] : memref<10240xf32, #tpu.memory_space<vmem_shared>> -> memref<640xf32, #tpu.memory_space<vmem_shared>>
      tpu.wait_dma2 semaphore(%run_scoped3A : memref<!tpu.dma_semaphore, #tpu.memory_space<semaphore_mem>>) src(%dma_wait3A_210 : memref<640xf32, #tpu.memory_space<vmem_shared>>) dst(%dma_wait3A_209 : memref<640xf32, #tpu.memory_space<hbm>>)
      tpu.yield
    }) : () -> ()
    return
  }
}

</mosaic_0001>

<sc_bundles>
// kernel: _sc_degree.3.cloned.1.call-start
scs
__scs_entry_jumppad:
0x0: {  	(pc) =	sbr.rel $0x88, $3  }
0x1: {  	(tag) =	ssettag $0x0;
	lr =	simm.s32 $0x1  }
0x2: {  	[smem:$0x3FA0] =	sst lr;
	_ =	strace $0xD0000000  }
0x3: {  	_ = 	snop  }
0x4: {  	_ = 	snop  }
0x5: {  	_ = 	snop  }
0x6: {  	_ = 	snop  }
0x7: {  	_ = 	snop  }
__scs_overlays_trampoline_lowered:
0x8: {  	[smem:$0x3FAF] =	sst s0  }
0x9: {  	[smem:$0x3FB0] =	sst s1  }
0xa: {  	[smem:$0x3FB1] =	sst s2  }
0xb: {  	[smem:$0x3FB2] =	sst s3  }
0xc: {  	[smem:$0x3FB3] =	sst s4  }
0xd: {  	[smem:$0x3FB4] =	sst s5  }
0xe: {  	[smem:$0x3FB5] =	sst s6  }
0xf: {  	[smem:$0x3FB6] =	sst s7  }
0x10: {  	[smem:$0x3FB7] =	sst s8  }
0x11: {  	[smem:$0x3FB8] =	sst s9;
	s0 =	simm.s32 @!p0 $0x0  }
0x12: {  	s1 =	sld [smem:$0x3F9E];
	s0 =	simm.s32 @p0 $0x1  }
0x13: {  	[smem:$0x3FB9] =	sst s0;
	s0 =	simm.s32 @!p1 $0x0  }
0x14: {  	s2 =	sld [smem:$0x3F9D];
	s0 =	simm.s32 @p1 $0x1  }
0x15: {  	[smem:$0x3FBA] =	sst s0;
	s0 =	simm.s32 @!p2 $0x0  }
0x16: {  	s3 =	sld [smem:$0x3FDB];
	s0 =	simm.s32 @p2 $0x1  }
0x17: {  	s4 =	simm.s32 $0x1BF5;
	[smem:$0x3FBC] =	sst s0  }
0x18: {  	s0 =	sld [smem:$0x3F9F];
	_ =	swait.ge [sflag:s4], $0x0  }
0x19: {  	s7 =	sld [smem:$0x3FA0]  }
0x1a: {  	s8 =	sadd.s32 $0xFFFFE003, lr  }
0x1b: {  	s9 =	sadd.s32 $0xFFFFFEF7, lr;
	s5 =	simm.s32 $0xFFFFFFFF;
	p2 =	slt.u32 s8, $0xFFFFF086  }
0x1c: {  	p1 =	slt.u32 s9, $0xF7A;
	s5 =	simm.s32 @!p2 $0x0  }
0x1d: {  	s5 =	simm.s32 @p1 $0x1;
	p0 =	seq.s32 s7, s2  }
0x1e: {  	s7 =	smul.u32 @!p0 $0xF7A, s2;
	p2 =	seq.s32 @!p0 s5, $0x0  }
0x1f: {  	s9 =	smul.u32 $0xF7A, s1;
	s8 =	simm.s32 @!p0 $0x1BF5;
	p2 =	por !p2, p0  }
0x20: {  	[sflag:s8] =	ssyncset.s32 @!p0 $0xFFFFF086;
	s6 =	sadd.s32 @!p0 s3, s7;
	s7 =	simm.s32 @!p0 $0x108  }
0x21: {  	s3 =	sadd.s32 s3, s9;
	s6 =	sadd.s32 @!p0 $0x88, s6;
	s7 =	simm.s32 @p2 $0x1082  }
0x22: {  	[simem:s7], [sflag:s8] =	dma.local @!p0 [hbm:s6], $0xF7A  }
0x23: {  	s9 =	sor.u32 $0xD0000000, s2;
	s6 =	simm.s32 $0x108;
	_ =	swait.ge @!p0 [sflag:s8], $0x0  }
0x24: {  	s3 =	sadd.s32 $0x88, s3;
	s6 =	simm.s32 @!p1 $0x1082;
	[sflag:s4] =	ssyncset.s32 $0xFFFFF086  }
0x25: {  	[simem:s6], [sflag:s4] =	dma.local [hbm:s3], $0xF7A  }
0x26: {  	[smem:$0x3FA0] =	sst s1;
	(tag) =	ssettag s2;
	_ =	strace s9  }
0x27: {  	s1 =	sld [smem:$0x3FB0]  }
0x28: {  	s2 =	sld [smem:$0x3FB1]  }
0x29: {  	s4 =	sld [smem:$0x3FB3]  }
0x2a: {  	p0 =	seq.s32 s5, $0x0;
	s5 =	sld [smem:$0x3FB4]  }
0x2b: {  	s6 =	sld [smem:$0x3FB5]  }
0x2c: {  	s7 =	sld [smem:$0x3FB6]  }
0x2d: {  	s3 =	simm.s32 $0x108;
	s8 =	sld [smem:$0x3FB7]  }
0x2e: {  	s3 =	simm.s32 @!p0 $0x1082;
	s9 =	sld [smem:$0x3FB8]  }
0x2f: {  	lr =	sadd.s32 s0, s3;
	s0 =	sld [smem:$0x3FAF]  }
0x30: {  	s3 =	sld [smem:$0x3FB2]  }
0x31: {  	[smem:$0x3FBB] =	sst s10  }
0x32: {  	s10 =	sld [smem:$0x3FB9];
	_ =	sdelay $0x3  }
0x33: {  	p0 =	seq.s32 s10, $0x1;
	s10 =	sld [smem:$0x3FBB];
	_ =	sdelay $0x3  }
0x34: {  	[smem:$0x3FBB] =	sst s10  }
0x35: {  	s10 =	sld [smem:$0x3FBA];
	_ =	sdelay $0x3  }
0x36: {  	p1 =	seq.s32 s10, $0x1;
	s10 =	sld [smem:$0x3FBB];
	_ =	sdelay $0x3  }
0x37: {  	[smem:$0x3FBB] =	sst s10  }
0x38: {  	s10 =	sld [smem:$0x3FBC]  }
0x39: {  	_ = 	snop;
	(pc) =	sbr.ind lr, $3  }
0x3a: {  	_ = 	snop  }
0x3b: {  	_ = 	snop  }
0x3c: {  	p2 =	seq.s32 s10, $0x1;
	s10 =	sld [smem:$0x3FBB]  }
0x3d: {  	_ =	shalt  }
0x3e: {  	_ =	shalt  }
0x3f: {  	_ =	shalt  }
0x40: {  	_ =	shalt  }
0x41: {  	_ =	shalt  }
0x42: {  	_ =	shalt  }
0x43: {  	_ =	shalt  }
0x44: {  	_ =	shalt  }
0x45: {  	_ =	shalt  }
0x46: {  	_ =	shalt  }
0x47: {  	_ =	shalt  }
0x48: {  	_ =	shalt  }
0x49: {  	_ =	shalt  }
0x4a: {  	_ =	shalt  }
0x4b: {  	_ =	shalt  }
0x4c: {  	_ =	shalt  }
0x4d: {  	_ =	shalt  }
0x4e: {  	_ =	shalt  }
0x4f: {  	_ =	shalt  }
0x50: {  	_ =	shalt  }
0x51: {  	_ =	shalt  }
0x52: {  	_ =	shalt  }
0x53: {  	_ =	shalt  }
0x54: {  	_ =	shalt  }
0x55: {  	_ =	shalt  }
0x56: {  	_ =	shalt  }
0x57: {  	_ =	shalt  }
0x58: {  	_ =	shalt  }
0x59: {  	_ =	shalt  }
0x5a: {  	_ =	shalt  }
0x5b: {  	_ =	shalt  }
0x5c: {  	_ =	shalt  }
0x5d: {  	_ =	shalt  }
0x5e: {  	_ =	shalt  }
0x5f: {  	_ =	shalt  }
0x60: {  	_ =	shalt  }
0x61: {  	_ =	shalt  }
0x62: {  	_ =	shalt  }
0x63: {  	_ =	shalt  }
0x64: {  	_ =	shalt  }
0x65: {  	_ =	shalt  }
0x66: {  	_ =	shalt  }
0x67: {  	_ =	shalt  }
0x68: {  	_ =	shalt  }
0x69: {  	_ =	shalt  }
0x6a: {  	_ =	shalt  }
0x6b: {  	_ =	shalt  }
0x6c: {  	_ =	shalt  }
0x6d: {  	_ =	shalt  }
0x6e: {  	_ =	shalt  }
0x6f: {  	_ =	shalt  }
0x70: {  	_ =	shalt  }
0x71: {  	_ =	shalt  }
0x72: {  	_ =	shalt  }
0x73: {  	_ =	shalt  }
0x74: {  	_ =	shalt  }
0x75: {  	_ =	shalt  }
0x76: {  	_ =	shalt  }
0x77: {  	_ =	shalt  }
0x78: {  	_ =	shalt  }
0x79: {  	_ =	shalt  }
0x7a: {  	_ =	shalt  }
0x7b: {  	_ =	shalt  }
0x7c: {  	_ =	shalt  }
0x7d: {  	_ =	shalt  }
0x7e: {  	_ =	shalt  }
0x7f: {  	_ =	shalt  }
0x80: {  	_ =	shalt  }
0x81: {  	_ =	shalt  }
0x82: {  	_ =	shalt  }
0x83: {  	_ =	shalt  }
0x84: {  	_ =	shalt  }
0x85: {  	_ =	shalt  }
0x86: {  	_ =	shalt  }
0x87: {  	_ =	shalt  }
.Lfunc_end0:
.L_simem_size_0:
called_computation_lowered:
.L_overlay_start_0:
0x88: {  	s2 =	sld [smem:$0x3FD9]  }
0x89: {  	s3 =	sld [smem:$0x3FFE];
	_ =	sdelay $0x1  }
0x8a: {  	s1 =	srdreg.scid  }
0x8b: {  	s0 =	sand.u32 $0x1, s1  }
0x8c: {  	s16 =	sshll.u32 s0, $0xA;
	s2 =	sadd.s32 s3, s2  }
0x8d: {  	s2 =	sadd.s32 s2, s16  }
0x8e: {  	[smem:$0x3FC7] =	sst s2  }
0x8f: {  	_ = 	snop  }
0x90: {  	(tm) =	ssettm $0x1  }
0x91: {  	s17 =	sld [smem:$0x3FFB];
	_ =	sdelay $0x3  }
0x92: {  	_ =	strace s17  }
0x93: {  	s2 =	sld [smem:$0x3FFC];
	_ =	sdelay $0x3  }
0x94: {  	_ =	strace s2  }
0x95: {  	s2 =	sld [smem:$0x3FFD];
	_ =	sdelay $0x3  }
0x96: {  	_ =	strace s2  }
0x97: {  	_ =	strace $0x8FFFFFFF  }
0x98: {  	s18 =	sld [smem:$0x3FDB];
	_ =	sdelay $0x1  }
0x99: {  	s19 =	simm.s32 $_scs_section_size  }
0x9a: {  	s4 =	simm.s32 $_size__tile_overlayer_lowered;
	s5 =	simm.s32 $_tile_overlayer_lowered  }
0x9b: {  	s22 =	simm.s32 $0x1BFF;
	s21 =	sshll.u32 s5, $0x1;
	s2 =	sadd.s32 s19, s18  }
0x9c: {  	s6 =	simm.s32 $0x0;
	s20 =	sshll.u32 s4, $0x1;
	s4 =	sadd.s32 s21, s2  }
0x9d: {  	[timem:s6], [sflag:s22] =	dma.local [hbm:s4], s20  }
0x9e: {  	_ =	swait.ge [sflag:s22], s20  }
0x9f: {  	s3 =	ssub.s32 $0x0, s20;
	[sflag:s22] =	ssyncset.done $0x0  }
0xa0: {  	[sflag:s22] =	ssyncadd.s32 s3;
	_ =	sdelay $0x1  }
0xa1: {  	s23 =	simm.s32 $0x1B8B  }
0xa2: {  	_ =	swait.ge [sflag:s23], $0x1  }
0xa3: {  	[sflag:s23] =	ssyncset.done $0x0  }
0xa4: {  	s25 =	simm.s32 $0x1B8E;
	s24 =	sld [smem:$0x3FFE];
	[sflag:s23] =	ssyncadd.s32 $0xFFFFFFFF  }
0xa5: {  	s26 =	simm.s32 $execute0_lowered;
	[smem:$0x3FD2] =	sst s25  }
0xa6: {  	s4 =	sshll.u32 s26, $0x1;
	_ =	strace $0x80000046;
	[dreg:$0x1] =	wrdreg $0xFFFFFFFF  }
0xa7: {  	s28 =	simm.s32 $_size_execute0_lowered;
	s2 =	sadd.s32 s2, s4;
	[dreg:$0x0] =	wrdreg $0x0  }
0xa8: {  	s4 =	sshll.u32 s28, $0x1;
	[dreg:$0x2] =	wrdreg s2  }
0xa9: {  	[dreg:$0x3] =	wrdreg s4  }
0xaa: {  	[dreg:$0x4] =	wrdreg $0xC0  }
0xab: {  	_ =	task [dreg:s6], $0x5FFFF  }
0xac: {  	[dreg:$0x1] =	wrdreg $0xFFFFFFFF  }
0xad: {  	[dreg:$0x0] =	wrdreg $0x60  }
0xae: {  	[dreg:$0x2] =	wrdreg s24  }
0xaf: {  	[dreg:$0x3] =	wrdreg $0x2EE00  }
0xb0: {  	[dreg:$0x4] =	wrdreg $0x9  }
0xb1: {  	_ =	task.clear_ibuf [dreg:s6], $0x5FFFF;
	_ =	strace $0x90000046  }
0xb2: {  	s29 =	simm.s32 $0x9;
	_ =	strace $0x80000048  }
0xb3: {  	_ =	swait.ge [sflag:s29], $0x1  }
0xb4: {  	[sflag:s29] =	ssyncadd.s32 $0xFFFFFFFF  }
0xb5: {  	_ =	strace $0x90000048  }
0xb6: {  	_ =	sfence  }
0xb7: {  	s30 =	sld [smem:$0x0];
	_ =	sdelay $0x2  }
0xb8: {  	s31 =	sshll.u32 s1, $0xD;
	s1 =	sshrl.u32 s1, $0x2  }
0xb9: {  	s3 =	sand.u32 $0x4000, s31;
	s1 =	sadd.s32 s1, s30  }
0xba: {  	s0 =	sor.u32 s3, s0;
	s1 =	sshll.u32 s1, $0x11  }
0xbb: {  	s0 =	sor.u32 s1, s0  }
0xbc: {  	s0 =	sadd.s32 $0x8F2B, s0  }
0xbd: {  	[sflag:s0] =	ssyncadd.remote.s32 $0x1  }
0xbe: {  	_ =	sfence.sel $0xFFFF  }
0xbf: {  	[dreg:$0x0] =	wrdreg $0xFFFFFFFF;
	(pc) =	sbr.abs _section_cstart, $3  }
0xc0: {  	[dreg:$0x1] =	wrdreg $0xFFFFFFFF  }
0xc1: {  	_ =	task.clear_ibuf [dreg:s6], $0x2FFFF;
	_ =	strace $0x9FFFFFFF  }
0xc2: {  	(tm) =	ssettm $0x7FFFFFFF  }
0xc3: {  	_ =	shalt  }
tec
execute0_lowered:
.L_overlay_start_1:
0x0: {  	(tag) =	ssettag $0x1  }
0x1: {  	s4 =	rddreg [dreg:$0x0];
	s0 =	srdreg.scid  }
0x2: {  	s2 =	rddreg [dreg:$0x1];
	s1 =	stileid.u32  }
0x3: {  	s3 =	simm.s32 $0x0;
	s13 =	simm.s32 $0xFA0;
	s14 =	simm.s32 $0x1770  }
0x4: {  	s15 =	simm.s32 $0x1F40;
	s16 =	simm.s32 $0x2710;
	s17 =	simm.s32 $0x4  }
0x5: {  	s18 =	simm.s32 $0x1;
	s19 =	simm.s32 $0x2;
	s20 =	simm.s32 $0x3  }
0x6: {  	s23 =	simm.s32 $0x0;
	s5 =	sand.u32 $0x1, s0;
	s0 =	rddreg [dreg:$0x2]  }
0x7: {  	s9 =	smul.u32 $0x280, s1;
	[smem:$0x7FF] =	sst s3;
	s6 =	sshll.u32 s5, $0x4  }
0x8: {  	s21 =	sshll.u32 s1, $0x6;
	s7 =	smul.u32 $0x2800, s5;
	s6 =	sor.u32 s1, s6  }
0x9: {  	_ =	strace $0x80000047;
	s5 =	ssub.s32 $0x2, s5;
	s6 =	smul.u32 $0x2710, s6  }
0xa: {  	s21 =	sor.u32 $0x1C04, s21;
	s8 =	sshrl.u32 s5, $0x1;
	s7 =	sadd.s32 s9, s7  }
0xb: {  	s12 =	ssub.s32 s5, s8;
	s9 =	sadd.s32 s9, s2;
	s6 =	sshrl.u32 s6, $0x3  }
0xc: {  	s7 =	sshrl.u32 s7, $0x3;
	s22 =	sshrl.u32 s9, $0x3;
	s10 =	sadd.s32 s6, s4  }
0xd: {  	s11 =	sadd.s32 s7, s4;
	s4 =	sadd.s32 $0xA040, s10;
	s5 =	sadd.s32 $0xA13A, s10  }
0xe: {  	s6 =	sadd.s32 $0xA234, s10;
	s7 =	sadd.s32 $0xA32E, s10;
	s8 =	sadd.s32 $0xA428, s10  }
0xf: {  	v0 =	vimm.f32 $0.0e+00;
	v1 =	vimm.f32 $1.000000000e+00;
	s10 =	sadd.s32 $0x13E00, s11;
	s11 =	smax.u32 s12, $0x1;
	s12 =	simm.s32 $0x7D0  }
.LBB2_1:
0x10: {  	[tilespmem:s3], [sflag:$0x1] =	stream.linear.gather [hbm4b:s4+s3], $0x7D0, $0x38;
	[tilespmem:$0x3160] =	vst v63  }
0x11: {  	_ = 	snop  }
0x12: {  	[tilespmem:s12], [sflag:$0x1] =	stream.linear.gather [hbm4b:s5+s3], $0x7D0, $0x38;
	[tilespmem:$0x3160] =	vst v63  }
0x13: {  	_ = 	snop  }
0x14: {  	[tilespmem:s13], [sflag:$0x1] =	stream.linear.gather [hbm4b:s6+s3], $0x7D0, $0x38;
	[tilespmem:$0x3160] =	vst v63  }
0x15: {  	_ = 	snop  }
0x16: {  	[tilespmem:s14], [sflag:$0x1] =	stream.linear.gather [hbm4b:s7+s3], $0x7D0, $0x38;
	[tilespmem:$0x3160] =	vst v63  }
0x17: {  	_ = 	snop  }
0x18: {  	[tilespmem:s15], [sflag:$0x1] =	stream.linear.gather [hbm4b:s8+s3], $0x7D0, $0x38;
	[tilespmem:$0x3160] =	vst v63  }
0x19: {  	[tilespmem:$0x2710] =	vst v0  }
0x1a: {  	[tilespmem:$0x2720] =	vst v0  }
0x1b: {  	[tilespmem:$0x2730] =	vst v0  }
0x1c: {  	[tilespmem:$0x2740] =	vst v0  }
0x1d: {  	[tilespmem:$0x2750] =	vst v0  }
0x1e: {  	[tilespmem:$0x2760] =	vst v0  }
0x1f: {  	[tilespmem:$0x2770] =	vst v0  }
0x20: {  	[tilespmem:$0x2780] =	vst v0  }
0x21: {  	[tilespmem:$0x2790] =	vst v0  }
0x22: {  	[tilespmem:$0x27A0] =	vst v0  }
0x23: {  	[tilespmem:$0x27B0] =	vst v0  }
0x24: {  	[tilespmem:$0x27C0] =	vst v0  }
0x25: {  	[tilespmem:$0x27D0] =	vst v0  }
0x26: {  	[tilespmem:$0x27E0] =	vst v0  }
0x27: {  	[tilespmem:$0x27F0] =	vst v0  }
0x28: {  	[tilespmem:$0x2800] =	vst v0  }
0x29: {  	[tilespmem:$0x2810] =	vst v0  }
0x2a: {  	[tilespmem:$0x2820] =	vst v0  }
0x2b: {  	[tilespmem:$0x2830] =	vst v0  }
0x2c: {  	[tilespmem:$0x2840] =	vst v0  }
0x2d: {  	[tilespmem:$0x2850] =	vst v0  }
0x2e: {  	[tilespmem:$0x2860] =	vst v0  }
0x2f: {  	[tilespmem:$0x2870] =	vst v0  }
0x30: {  	[tilespmem:$0x2880] =	vst v0  }
0x31: {  	[tilespmem:$0x2890] =	vst v0  }
0x32: {  	[tilespmem:$0x28A0] =	vst v0  }
0x33: {  	[tilespmem:$0x28B0] =	vst v0  }
0x34: {  	[tilespmem:$0x28C0] =	vst v0  }
0x35: {  	[tilespmem:$0x28D0] =	vst v0  }
0x36: {  	[tilespmem:$0x28E0] =	vst v0  }
0x37: {  	[tilespmem:$0x28F0] =	vst v0  }
0x38: {  	[tilespmem:$0x2900] =	vst v0  }
0x39: {  	[tilespmem:$0x2910] =	vst v0  }
0x3a: {  	[tilespmem:$0x2920] =	vst v0  }
0x3b: {  	[tilespmem:$0x2930] =	vst v0  }
0x3c: {  	[tilespmem:$0x2940] =	vst v0  }
0x3d: {  	[tilespmem:$0x2950] =	vst v0  }
0x3e: {  	[tilespmem:$0x2960] =	vst v0  }
0x3f: {  	[tilespmem:$0x2970] =	vst v0  }
0x40: {  	[tilespmem:$0x2980] =	vst v0  }
0x41: {  	[spmem:s9] =	stream.linear.scatter [tilespmem:s16], [sflag:$0x4], $0x280, $0x38;
	[tilespmem:$0x3160] =	vst v63  }
0x42: {  	_ =	swait.ge [sflag:s17], $0x280  }
0x43: {  	[sflag:s17] =	ssyncset.done $0x0  }
0x44: {  	s24 =	simm.s32 $0x40;
	s25 =	simm.s32 $0x0;
	[sflag:s17] =	ssyncadd.s32 $0xFFFFFD80  }
.LBB2_2:
0x45: {  	p0 =	sne.s32 s24, $0x1F00;
	[tilespmem:s25+$0x2710] =	vst v1;
	s25 =	smov.u32 s24;
	s24 =	sadd.s32 $0x40, s24  }
.Ltmp0:
0x46: {  	(pc) =	sbr.rel @p0 .LBB2_2-.Ltmp0, $2  }
0x47: {  	_ =	sdelay $0x2  }
0x48: {  	s25 =	sshra.s32 s25, $0x2  }
0x49: {  	[tilespmem:s25+$0x2710] =	vst v1  }
0x4a: {  	_ =	swait.ge [sflag:s18], $0x7D0  }
0x4b: {  	[sflag:s18] =	ssyncset.done $0x0  }
0x4c: {  	[sflag:s18] =	ssyncadd.s32 $0xFFFFF830  }
0x4d: {  	_ =	swait.ge [sflag:s18], $0x7D0  }
0x4e: {  	[sflag:s18] =	ssyncset.done $0x0  }
0x4f: {  	[sflag:s18] =	ssyncadd.s32 $0xFFFFF830  }
0x50: {  	_ =	swait.ge [sflag:s18], $0x7D0  }
0x51: {  	[sflag:s18] =	ssyncset.done $0x0  }
0x52: {  	[sflag:s18] =	ssyncadd.s32 $0xFFFFF830  }
0x53: {  	_ =	swait.ge [sflag:s18], $0x7D0  }
0x54: {  	[sflag:s18] =	ssyncset.done $0x0  }
0x55: {  	[sflag:s18] =	ssyncadd.s32 $0xFFFFF830  }
0x56: {  	_ =	swait.ge [sflag:s18], $0x7D0  }
0x57: {  	[sflag:s18] =	ssyncset.done $0x0  }
0x58: {  	[sflag:s18] =	ssyncadd.s32 $0xFFFFF830  }
0x59: {  	[bflag:$0x0] =	sbarrier.arrive $0xFFFF  }
0x5a: {  	[spmem:s2] =	stream.indirect.scatter.add.f32 [tilespmem:s16], [sflag:$0x2], $0x1, s3, s12, $0xb8;
	[tilespmem:$0x3160] =	vst v63  }
0x5b: {  	_ = 	snop  }
0x5c: {  	[spmem:s2] =	stream.indirect.scatter.add.f32 [tilespmem:s16], [sflag:$0x3], $0x1, s12, s12, $0xb8;
	[tilespmem:$0x3160] =	vst v63  }
0x5d: {  	_ =	swait.ge [sflag:s19], $0x7D0  }
0x5e: {  	[sflag:s19] =	ssyncset.done $0x0  }
0x5f: {  	[sflag:s19] =	ssyncadd.s32 $0xFFFFF830  }
0x60: {  	[spmem:s2] =	stream.indirect.scatter.add.f32 [tilespmem:s16], [sflag:$0x2], $0x1, s13, s12, $0xb8;
	[tilespmem:$0x3160] =	vst v63  }
0x61: {  	_ =	swait.ge [sflag:s20], $0x7D0  }
0x62: {  	[sflag:s20] =	ssyncset.done $0x0  }
0x63: {  	[sflag:s20] =	ssyncadd.s32 $0xFFFFF830  }
0x64: {  	[spmem:s2] =	stream.indirect.scatter.add.f32 [tilespmem:s16], [sflag:$0x3], $0x1, s14, s12, $0xb8;
	[tilespmem:$0x3160] =	vst v63  }
0x65: {  	_ =	swait.ge [sflag:s19], $0x7D0  }
0x66: {  	[sflag:s19] =	ssyncset.done $0x0  }
0x67: {  	[sflag:s19] =	ssyncadd.s32 $0xFFFFF830  }
0x68: {  	[spmem:s2] =	stream.indirect.scatter.add.f32 [tilespmem:s16], [sflag:$0x2], $0x1, s15, s12, $0xb8;
	[tilespmem:$0x3160] =	vst v63  }
0x69: {  	_ =	swait.ge [sflag:s20], $0x7D0  }
0x6a: {  	[sflag:s20] =	ssyncset.done $0x0  }
0x6b: {  	[sflag:s20] =	ssyncadd.s32 $0xFFFFF830  }
0x6c: {  	_ =	swait.ge [sflag:s19], $0x7D0  }
0x6d: {  	s23 =	sadd.s32 $0x1, s23;
	[sflag:s19] =	ssyncset.done $0x0  }
0x6e: {  	p0 =	sne.s32 s23, s11;
	[sflag:s19] =	ssyncadd.s32 $0xFFFFF830  }
.Ltmp1:
0x6f: {  	[bflag:$0x0] =	sbarrier.arrive $0xFFFF;
	(pc) =	sbr.rel @p0 .LBB2_1-.Ltmp1, $4  }
0x70: {  	[hbm:s10], [sflag:s21] =	dma.local [spmem:s22], $0x50  }
0x71: {  	_ =	swait.ge [sflag:s17], $0x50  }
0x72: {  	[sflag:s17] =	ssyncset.done $0x0  }
0x73: {  	[sflag:s17] =	ssyncadd.s32 $0xFFFFFFB0  }
0x74: {  	_ =	sfence.sel $0x180000  }
0x75: {  	[bflag:$0x0] =	sbarrier.arrive $0xFFFF  }
0x76: {  	p0 =	sne.s32 s1, $0x0;
	_ =	strace $0x90000047  }
0x77: {  	s0 =	sadd.s32 @!p0 $0x100000, s0;
	[bflag:$0x2] =	sbarrier.arrive $0xFFFF  }
0x78: {  	[sflag:s0] =	ssyncadd.tile.s32 @!p0 $0x1;
	_ =	shalt  }
.Lfunc_end2:
_tile_overlayer_lowered:
.L_overlay_start_2:
0x79: {  	(tag) =	ssettag $0x2  }
0x7a: {  	s0 =	rddreg [dreg:$0x0];
	s2 =	stileid.u32  }
0x7b: {  	s1 =	rddreg [dreg:$0x1];
	p0 =	sne.s32 s2, $0x0  }
0x7c: {  	s3 =	rddreg [dreg:$0x2];
	[bflag:$0x3] =	sbarrier.arrive $0xFFFF;
	s2 =	simm.s32 @!p0 $0x1C04  }
0x7d: {  	[timem:s3], [sflag:s2] =	dma.local @!p0 [hbm:s0], s1  }
0x7e: {  	s0 =	simm.s32 @!p0 $0x4  }
0x7f: {  	_ =	swait.ge @!p0 [sflag:s0], s1  }
0x80: {  	s1 =	ssub.s32 @!p0 $0x0, s1;
	[sflag:s0] =	ssyncset.done @!p0 $0x0  }
0x81: {  	[sflag:s0] =	ssyncadd.s32 @!p0 s1  }
0x82: {  	[bflag:$0x3] =	sbarrier.arrive $0xFFFF  }
0x83: {  	_ =	shalt  }

</sc_bundles>
